<compile_context>
chip_gen: v7x
topology: tpu7x:2x2x1
jax: 0.10.2.dev20260603
libtpu: 0.0.44.dev20260713+nightly
codegen_flags: <defaults>
</compile_context>

<pallas_src>
import functools

import jax
import jax.numpy as jnp
from jax import lax
from jax.experimental import pallas as pl
from jax.experimental.pallas import tpu as pltpu
from jax.experimental.pallas import tpu_sc as plsc

FEAT = 128
EMBED = 64
NB = 4096
KTOT = 96
NC, NS, L = 2, 16, 16
NW = NC * NS
BPW = NB // NW
VPR = FEAT // L
SCALE = 0.5 / 32.0

_mesh = plsc.VectorSubcoreMesh(
    core_axis_name="c", subcore_axis_name="s", num_cores=NC, num_subcores=NS
)


def _sc_body(feat_hbm, nodes_hbm, nidx_hbm, self_out, x_out,
             nidx_v, sidx_v, self_v, acc_v, sem_self, sem_acc, sem_idx):
    wid = lax.axis_index("s") * NC + lax.axis_index("c")
    base = wid * BPW

    pltpu.sync_copy(nodes_hbm.at[pl.ds(base, BPW)], sidx_v)
    idx_cp = pltpu.async_copy(nidx_hbm.at[wid], nidx_v, sem_idx)

    self_cp = pltpu.async_copy(feat_hbm.at[sidx_v], self_v, sem_self)

    zeros = jnp.zeros((L,), jnp.float32)

    def zero_row(n, _):
        for k in range(VPR):
            acc_v[n, pl.ds(k * L, L)] = zeros
        return 0

    lax.fori_loop(0, BPW, zero_row, 0)
    idx_cp.wait()

    def fire(p, _):
        pltpu.async_copy(feat_hbm.at[nidx_v.at[p]], acc_v, sem_acc, add=True)
        return 0

    lax.fori_loop(0, KTOT, fire, 0)

    self_cp.wait()
    pltpu.sync_copy(self_v, self_out.at[pl.ds(base, BPW)])

    def drain(p, _):
        pltpu.make_async_copy(feat_hbm.at[nidx_v.at[0]], acc_v, sem_acc).wait()
        return 0

    lax.fori_loop(0, KTOT, drain, 0)

    pltpu.sync_copy(acc_v, x_out.at[pl.ds(base, BPW)])


_sc_gather = functools.partial(
    pl.kernel,
    out_type=[
        jax.ShapeDtypeStruct((NB, FEAT), jnp.float32),
        jax.ShapeDtypeStruct((NB, FEAT), jnp.float32),
    ],
    mesh=_mesh,
    scratch_types=[
        pltpu.VMEM((KTOT, BPW), jnp.int32),
        pltpu.VMEM((BPW,), jnp.int32),
        pltpu.VMEM((BPW, FEAT), jnp.float32),
        pltpu.VMEM((BPW, FEAT), jnp.float32),
        pltpu.SemaphoreType.DMA,
        pltpu.SemaphoreType.DMA,
        pltpu.SemaphoreType.DMA,
    ],
)(_sc_body)


def _tc_body(acc_ref, self_ref, w_ref, cw_ref, cb_ref, comb_ref, scores_ref):
    x = self_ref[...] + SCALE * acc_ref[...]
    comb = lax.dot_general(
        w_ref[...], x, (((1,), (1,)), ((), ())),
        preferred_element_type=jnp.float32,
    )
    comb_ref[...] = jnp.maximum(comb, 0.0)
    scores_ref[...] = (
        lax.dot_general(
            self_ref[...], cw_ref[...], (((1,), (0,)), ((), ())),
            preferred_element_type=jnp.float32,
        )
        + cb_ref[...]
    )


_tc_dense = pl.pallas_call(
    _tc_body,
    out_shape=(
        jax.ShapeDtypeStruct((EMBED, NB), jnp.float32),
        jax.ShapeDtypeStruct((NB, 2), jnp.float32),
    ),
)


def kernel(features, weight, clf_W, clf_b, nodes, labels, neigh1, neigh2, neigh3):
    del labels
    nidx = (
        jnp.stack(
            [neigh1.astype(jnp.int32), neigh2.astype(jnp.int32),
             neigh3.astype(jnp.int32)], axis=0,
        )
        .reshape(3, NW, BPW, KTOT // 3)
        .transpose(1, 0, 3, 2)
        .reshape(NW, KTOT, BPW)
    )
    self_rows, x = _sc_gather(features, nodes.astype(jnp.int32), nidx)
    combined, scores = _tc_dense(
        x, self_rows, weight, clf_W, jnp.reshape(clf_b, (1, 2))
    )
    return combined, scores

# --- scband reference (transcript-rebuilt; emitter-appended) ---
"""Pipeline reference for scband-inter-agg-54511724921156 (READ-ONLY COPY).

The authoritative reference and input builder live on the scoring server;
editing this copy changes nothing except your own understanding.
"""

import jax, jax.numpy as jnp
import numpy as np

N_NODES = 100000
FEAT_DIM = 128
EMBED_DIM = 64
N_BATCH = 4096
K = 32


def setup_inputs(seed: int = 0) -> dict:
    key = jax.random.key(seed)
    ks = jax.random.split(key, 9)
    features = jax.random.normal(ks[0], (N_NODES, FEAT_DIM), dtype=jnp.float32)
    nodes = jax.random.randint(ks[1], (N_BATCH,), 0, N_NODES, dtype=jnp.int64 if jax.config.jax_enable_x64 else jnp.int32)
    labels = jax.random.randint(ks[2], (N_BATCH,), 0, 2)
    neigh1 = jax.random.randint(ks[3], (N_BATCH, K), 0, N_NODES)
    neigh2 = jax.random.randint(ks[4], (N_BATCH, K), 0, N_NODES)
    neigh3 = jax.random.randint(ks[5], (N_BATCH, K), 0, N_NODES)
    # xavier-uniform init for weight [embed_dim, feat_dim]
    bound_w = float(np.sqrt(6.0 / (EMBED_DIM + FEAT_DIM)))
    weight = jax.random.uniform(ks[6], (EMBED_DIM, FEAT_DIM), minval=-bound_w, maxval=bound_w, dtype=jnp.float32)
    bound_c = float(np.sqrt(6.0 / (FEAT_DIM + 2)))
    clf_W = jax.random.uniform(ks[7], (FEAT_DIM, 2), minval=-bound_c, maxval=bound_c, dtype=jnp.float32)
    clf_b = jnp.zeros((2,), dtype=jnp.float32)
    return {
        'features': features,
        'weight': weight,
        'clf_W': clf_W,
        'clf_b': clf_b,
        'nodes': nodes,
        'labels': labels,
        'neigh1': neigh1,
        'neigh2': neigh2,
        'neigh3': neigh3,
    }


def reference(features, weight, clf_W, clf_b, nodes, labels, neigh1, neigh2, neigh3):
    # InterAgg.forward with inter='GNN' (threshold_inter_agg), thresholds=[0.5,0.5,0.5]
    n = nodes.shape[0]
    thresholds = jnp.array([0.5, 0.5, 0.5], dtype=jnp.float32)
    # gather batch node features (embedding lookup)
    self_feats = jnp.take(features, nodes, axis=0)            # [n, feat_dim]
    # label-aware scores: label_clf(batch_features) restricted to center nodes
    center_scores = self_feats @ clf_W + clf_b                # [n, 2]
    # intra-relation aggregation: mean over sampled neighbors per relation
    def intra_mean(nidx):
        return jnp.mean(jnp.take(features, nidx, axis=0), axis=1)  # [n, feat_dim]
    r1 = intra_mean(neigh1)
    r2 = intra_mean(neigh2)
    r3 = intra_mean(neigh3)
    neigh_feats = jnp.concatenate([r1, r2, r3], axis=0)       # [3n, feat_dim]
    # threshold_inter_agg
    center_h = weight @ self_feats.T                          # [embed, n]
    neigh_h = weight @ neigh_feats.T                          # [embed, 3n]
    aggregated = (thresholds[0] * neigh_h[:, 0:n]
                  + thresholds[1] * neigh_h[:, n:2 * n]
                  + thresholds[2] * neigh_h[:, 2 * n:3 * n])
    combined = jax.nn.relu(center_h + aggregated)             # [embed, n]
    return combined, center_scores

if __name__ == "__main__":
    import jax
    _d = setup_inputs()
    print(jax.jit(kernel)(*tuple(_d.values())))

</pallas_src>

<mosaic_0001>
#map = affine_map<(d0, d1) -> (0, 0)>
#map1 = affine_map<(d0, d1) -> (0)>
#map2 = affine_map<(d0, d1) -> (0, 0, 0)>
module attributes {stable_mosaic.version = 14 : i64} {
  func.func @_sc_body(%arg0: i32, %arg1: i32, %arg2: memref<100000x128xf32, #tpu.memory_space<hbm>>, %arg3: memref<4096xi32, #tpu.memory_space<hbm>>, %arg4: memref<32x96x128xi32, #tpu.memory_space<hbm>>, %arg5: memref<4096x128xf32, #tpu.memory_space<hbm>>, %arg6: memref<4096x128xf32, #tpu.memory_space<hbm>>, %arg7: memref<96x128xi32, #tpu.memory_space<vmem>>, %arg8: memref<128xi32, #tpu.memory_space<vmem>>, %arg9: memref<128x128xf32, #tpu.memory_space<vmem>>, %arg10: memref<128x128xf32, #tpu.memory_space<vmem>>, %arg11: memref<!tpu.dma_semaphore, #tpu.memory_space<semaphore_mem>>, %arg12: memref<!tpu.dma_semaphore, #tpu.memory_space<semaphore_mem>>, %arg13: memref<!tpu.dma_semaphore, #tpu.memory_space<semaphore_mem>>) attributes {dimension_semantics = [#tpu.dimension_semantics<core_parallel>, #tpu.dimension_semantics<subcore_parallel>], iteration_bounds = array<i64: 2, 16>, scalar_prefetch = 0 : i64, scratch_operands = 7 : i64, tpu.core_type = #tpu.core_type<sc_vector_subcore>, window_params = [{transform_indices = #map}, {transform_indices = #map1}, {transform_indices = #map2}, {transform_indices = #map}, {transform_indices = #map}]} {
    %mul3A = arith.constant 2 : i32
    %mul3A_0 = arith.muli %arg1, %mul3A : i32
    %add3A = arith.addi %mul3A_0, %arg0 : i32
    %mul3A_1 = arith.constant 128 : i32
    %mul3A_2 = arith.muli %add3A, %mul3A_1 : i32
    "tpu.region"() ({
      %run_scoped3A = tpu.sem_alloc : memref<!tpu.dma_semaphore, #tpu.memory_space<semaphore_mem>>
      %dma_start3A_44 = tpu.memref_slice %arg3[%mul3A_2] : memref<4096xi32, #tpu.memory_space<hbm>> -> memref<128xi32, #tpu.memory_space<hbm>>
      %dma_start3A_45 = tpu.memref_slice %arg3[%mul3A_2] : memref<4096xi32, #tpu.memory_space<hbm>> -> memref<128xi32, #tpu.memory_space<hbm>>
      tpu.enqueue_dma source(%dma_start3A_45 : memref<128xi32, #tpu.memory_space<hbm>>) target(%arg8 : memref<128xi32, #tpu.memory_space<vmem>>) target_semaphore(%run_scoped3A : memref<!tpu.dma_semaphore, #tpu.memory_space<semaphore_mem>>)
      %dma_wait3A_46 = tpu.memref_slice %arg3[%mul3A_2] : memref<4096xi32, #tpu.memory_space<hbm>> -> memref<128xi32, #tpu.memory_space<hbm>>
      %dma_wait3A_47 = tpu.memref_slice %arg3[%mul3A_2] : memref<4096xi32, #tpu.memory_space<hbm>> -> memref<128xi32, #tpu.memory_space<hbm>>
      tpu.wait_dma2 semaphore(%run_scoped3A : memref<!tpu.dma_semaphore, #tpu.memory_space<semaphore_mem>>) src(%dma_wait3A_47 : memref<128xi32, #tpu.memory_space<hbm>>) dst(%arg8 : memref<128xi32, #tpu.memory_space<vmem>>)
      tpu.yield
    }) : () -> ()
    %dma_start3A = arith.constant 0 : i32
    %dma_start3A_3 = arith.constant 0 : i32
    %dma_start3A_4 = tpu.memref_slice %arg4[%add3A, %dma_start3A, %dma_start3A_3] : memref<32x96x128xi32, #tpu.memory_space<hbm>> -> memref<1x96x128xi32, #tpu.memory_space<hbm>>
    %dma_start3A_5 = tpu.memref_squeeze %dma_start3A_4 : memref<1x96x128xi32, #tpu.memory_space<hbm>> -> memref<96x128xi32, #tpu.memory_space<hbm>>
    %dma_start3A_6 = arith.constant 0 : i32
    %dma_start3A_7 = arith.constant 0 : i32
    %dma_start3A_8 = tpu.memref_slice %arg4[%add3A, %dma_start3A_6, %dma_start3A_7] : memref<32x96x128xi32, #tpu.memory_space<hbm>> -> memref<1x96x128xi32, #tpu.memory_space<hbm>>
    %dma_start3A_9 = tpu.memref_squeeze %dma_start3A_8 : memref<1x96x128xi32, #tpu.memory_space<hbm>> -> memref<96x128xi32, #tpu.memory_space<hbm>>
    tpu.enqueue_dma source(%dma_start3A_9 : memref<96x128xi32, #tpu.memory_space<hbm>>) target(%arg7 : memref<96x128xi32, #tpu.memory_space<vmem>>) target_semaphore(%arg13 : memref<!tpu.dma_semaphore, #tpu.memory_space<semaphore_mem>>)
    %dma_start3A_10 = arith.constant 0 : i32
    %dma_start3A_11 = arith.constant 0 : i32
    %dma_start3A_12 = tpu.memref_slice %arg2[%dma_start3A_10, %dma_start3A_11] : memref<100000x128xf32, #tpu.memory_space<hbm>> -> memref<100000x128xf32, #tpu.memory_space<hbm>>
    tpu.enqueue_indirect_dma source(%dma_start3A_12 : memref<100000x128xf32, #tpu.memory_space<hbm>>) target(%arg9 : memref<128x128xf32, #tpu.memory_space<vmem>>) offsets(%arg8 : memref<128xi32, #tpu.memory_space<vmem>>) semaphore(%arg11 : memref<!tpu.dma_semaphore, #tpu.memory_space<semaphore_mem>>)
    %broadcast_in_dim3A = arith.constant 0.000000e+00 : f32
    %broadcast_in_dim3A_13 = vector.broadcast %broadcast_in_dim3A : f32 to vector<16xf32>
    %scan3A = arith.constant 0 : i32
    %scan3A_14 = arith.constant 0 : i32
    %scan3A_15 = arith.constant 128 : i32
    %scan3A_16 = arith.addi %scan3A_14, %scan3A_15 : i32
    %scan3A_17 = arith.constant 1 : i32
    %scan3A_18 = scf.for %scan3A_44 = %scan3A_14 to %scan3A_16 step %scan3A_17 iter_args(%scan3A_45 = %scan3A) -> (i32)  : i32 {
      %swap3A = arith.index_cast %scan3A_44 : i32 to index
      %swap3A_46 = arith.constant 0 : index
      %swap3A_47 = tpu.vector_load %arg10[%swap3A, %swap3A_46] {strides = array<i32>} : memref<128x128xf32, #tpu.memory_space<vmem>>, vector<1x16xf32>,
      %swap3A_48 = vector.shape_cast %swap3A_47 : vector<1x16xf32> to vector<16xf32>
      %swap3A_49 = vector.shape_cast %broadcast_in_dim3A_13 : vector<16xf32> to vector<1x16xf32>
      tpu.vector_store %arg10[%swap3A, %swap3A_46], %swap3A_49 {strides = array<i32>} : memref<128x128xf32, #tpu.memory_space<vmem>>, vector<1x16xf32>,
      %swap3A_50 = arith.index_cast %scan3A_44 : i32 to index
      %swap3A_51 = arith.constant 16 : index
      %swap3A_52 = tpu.vector_load %arg10[%swap3A_50, %swap3A_51] {strides = array<i32>} : memref<128x128xf32, #tpu.memory_space<vmem>>, vector<1x16xf32>,
      %swap3A_53 = vector.shape_cast %swap3A_52 : vector<1x16xf32> to vector<16xf32>
      %swap3A_54 = vector.shape_cast %broadcast_in_dim3A_13 : vector<16xf32> to vector<1x16xf32>
      tpu.vector_store %arg10[%swap3A_50, %swap3A_51], %swap3A_54 {strides = array<i32>} : memref<128x128xf32, #tpu.memory_space<vmem>>, vector<1x16xf32>,
      %swap3A_55 = arith.index_cast %scan3A_44 : i32 to index
      %swap3A_56 = arith.constant 32 : index
      %swap3A_57 = tpu.vector_load %arg10[%swap3A_55, %swap3A_56] {strides = array<i32>} : memref<128x128xf32, #tpu.memory_space<vmem>>, vector<1x16xf32>,
      %swap3A_58 = vector.shape_cast %swap3A_57 : vector<1x16xf32> to vector<16xf32>
      %swap3A_59 = vector.shape_cast %broadcast_in_dim3A_13 : vector<16xf32> to vector<1x16xf32>
      tpu.vector_store %arg10[%swap3A_55, %swap3A_56], %swap3A_59 {strides = array<i32>} : memref<128x128xf32, #tpu.memory_space<vmem>>, vector<1x16xf32>,
      %swap3A_60 = arith.index_cast %scan3A_44 : i32 to index
      %swap3A_61 = arith.constant 48 : index
      %swap3A_62 = tpu.vector_load %arg10[%swap3A_60, %swap3A_61] {strides = array<i32>} : memref<128x128xf32, #tpu.memory_space<vmem>>, vector<1x16xf32>,
      %swap3A_63 = vector.shape_cast %swap3A_62 : vector<1x16xf32> to vector<16xf32>
      %swap3A_64 = vector.shape_cast %broadcast_in_dim3A_13 : vector<16xf32> to vector<1x16xf32>
      tpu.vector_store %arg10[%swap3A_60, %swap3A_61], %swap3A_64 {strides = array<i32>} : memref<128x128xf32, #tpu.memory_space<vmem>>, vector<1x16xf32>,
      %swap3A_65 = arith.index_cast %scan3A_44 : i32 to index
      %swap3A_66 = arith.constant 64 : index
      %swap3A_67 = tpu.vector_load %arg10[%swap3A_65, %swap3A_66] {strides = array<i32>} : memref<128x128xf32, #tpu.memory_space<vmem>>, vector<1x16xf32>,
      %swap3A_68 = vector.shape_cast %swap3A_67 : vector<1x16xf32> to vector<16xf32>
      %swap3A_69 = vector.shape_cast %broadcast_in_dim3A_13 : vector<16xf32> to vector<1x16xf32>
      tpu.vector_store %arg10[%swap3A_65, %swap3A_66], %swap3A_69 {strides = array<i32>} : memref<128x128xf32, #tpu.memory_space<vmem>>, vector<1x16xf32>,
      %swap3A_70 = arith.index_cast %scan3A_44 : i32 to index
      %swap3A_71 = arith.constant 80 : index
      %swap3A_72 = tpu.vector_load %arg10[%swap3A_70, %swap3A_71] {strides = array<i32>} : memref<128x128xf32, #tpu.memory_space<vmem>>, vector<1x16xf32>,
      %swap3A_73 = vector.shape_cast %swap3A_72 : vector<1x16xf32> to vector<16xf32>
      %swap3A_74 = vector.shape_cast %broadcast_in_dim3A_13 : vector<16xf32> to vector<1x16xf32>
      tpu.vector_store %arg10[%swap3A_70, %swap3A_71], %swap3A_74 {strides = array<i32>} : memref<128x128xf32, #tpu.memory_space<vmem>>, vector<1x16xf32>,
      %swap3A_75 = arith.index_cast %scan3A_44 : i32 to index
      %swap3A_76 = arith.constant 96 : index
      %swap3A_77 = tpu.vector_load %arg10[%swap3A_75, %swap3A_76] {strides = array<i32>} : memref<128x128xf32, #tpu.memory_space<vmem>>, vector<1x16xf32>,
      %swap3A_78 = vector.shape_cast %swap3A_77 : vector<1x16xf32> to vector<16xf32>
      %swap3A_79 = vector.shape_cast %broadcast_in_dim3A_13 : vector<16xf32> to vector<1x16xf32>
      tpu.vector_store %arg10[%swap3A_75, %swap3A_76], %swap3A_79 {strides = array<i32>} : memref<128x128xf32, #tpu.memory_space<vmem>>, vector<1x16xf32>,
      %swap3A_80 = arith.index_cast %scan3A_44 : i32 to index
      %swap3A_81 = arith.constant 112 : index
      %swap3A_82 = tpu.vector_load %arg10[%swap3A_80, %swap3A_81] {strides = array<i32>} : memref<128x128xf32, #tpu.memory_space<vmem>>, vector<1x16xf32>,
      %swap3A_83 = vector.shape_cast %swap3A_82 : vector<1x16xf32> to vector<16xf32>
      %swap3A_84 = vector.shape_cast %broadcast_in_dim3A_13 : vector<16xf32> to vector<1x16xf32>
      tpu.vector_store %arg10[%swap3A_80, %swap3A_81], %swap3A_84 {strides = array<i32>} : memref<128x128xf32, #tpu.memory_space<vmem>>, vector<1x16xf32>,
      %scan3A_85 = arith.constant 0 : i32
      scf.yield %scan3A_85 : i32
    }
    %scan3A_19 = arith.constant 128 : i32
    %dma_wait3A = arith.constant 0 : i32
    %dma_wait3A_20 = arith.constant 0 : i32
    %dma_wait3A_21 = tpu.memref_slice %arg4[%add3A, %dma_wait3A, %dma_wait3A_20] : memref<32x96x128xi32, #tpu.memory_space<hbm>> -> memref<1x96x128xi32, #tpu.memory_space<hbm>>
    %dma_wait3A_22 = tpu.memref_squeeze %dma_wait3A_21 : memref<1x96x128xi32, #tpu.memory_space<hbm>> -> memref<96x128xi32, #tpu.memory_space<hbm>>
    %dma_wait3A_23 = arith.constant 0 : i32
    %dma_wait3A_24 = arith.constant 0 : i32
    %dma_wait3A_25 = tpu.memref_slice %arg4[%add3A, %dma_wait3A_23, %dma_wait3A_24] : memref<32x96x128xi32, #tpu.memory_space<hbm>> -> memref<1x96x128xi32, #tpu.memory_space<hbm>>
    %dma_wait3A_26 = tpu.memref_squeeze %dma_wait3A_25 : memref<1x96x128xi32, #tpu.memory_space<hbm>> -> memref<96x128xi32, #tpu.memory_space<hbm>>
    tpu.wait_dma2 semaphore(%arg13 : memref<!tpu.dma_semaphore, #tpu.memory_space<semaphore_mem>>) src(%dma_wait3A_26 : memref<96x128xi32, #tpu.memory_space<hbm>>) dst(%arg7 : memref<96x128xi32, #tpu.memory_space<vmem>>)
    %scan3A_27 = arith.constant 0 : i32
    %scan3A_28 = arith.constant 0 : i32
    %scan3A_29 = arith.constant 96 : i32
    %scan3A_30 = arith.addi %scan3A_28, %scan3A_29 : i32
    %scan3A_31 = arith.constant 1 : i32
    %scan3A_32 = scf.for %scan3A_44 = %scan3A_28 to %scan3A_30 step %scan3A_31 iter_args(%scan3A_45 = %scan3A_27) -> (i32)  : i32 {
      %dma_start3A_46 = arith.constant 0 : i32
      %dma_start3A_47 = tpu.memref_slice %arg7[%scan3A_44, %dma_start3A_46] : memref<96x128xi32, #tpu.memory_space<vmem>> -> memref<1x128xi32, #tpu.memory_space<vmem>>
      %dma_start3A_48 = tpu.memref_squeeze %dma_start3A_47 : memref<1x128xi32, #tpu.memory_space<vmem>> -> memref<128xi32, #tpu.memory_space<vmem>>
      %dma_start3A_49 = arith.constant 0 : i32
      %dma_start3A_50 = arith.constant 0 : i32
      %dma_start3A_51 = tpu.memref_slice %arg2[%dma_start3A_49, %dma_start3A_50] : memref<100000x128xf32, #tpu.memory_space<hbm>> -> memref<100000x128xf32, #tpu.memory_space<hbm>>
      tpu.enqueue_indirect_dma source(%dma_start3A_51 : memref<100000x128xf32, #tpu.memory_space<hbm>>) target(%arg10 : memref<128x128xf32, #tpu.memory_space<vmem>>) offsets(%dma_start3A_48 : memref<128xi32, #tpu.memory_space<vmem>>) semaphore(%arg12 : memref<!tpu.dma_semaphore, #tpu.memory_space<semaphore_mem>>) {add = true}
      %scan3A_52 = arith.constant 0 : i32
      scf.yield %scan3A_52 : i32
    }
    %scan3A_33 = arith.constant 96 : i32
    %dma_wait3A_34 = arith.constant 0 : i32
    %dma_wait3A_35 = arith.constant 0 : i32
    %dma_wait3A_36 = tpu.memref_slice %arg2[%dma_wait3A_34, %dma_wait3A_35] : memref<100000x128xf32, #tpu.memory_space<hbm>> -> memref<100000x128xf32, #tpu.memory_space<hbm>>
    tpu.wait_indirect_dma semaphore(%arg11 : memref<!tpu.dma_semaphore, #tpu.memory_space<semaphore_mem>>) src(%dma_wait3A_36 : memref<100000x128xf32, #tpu.memory_space<hbm>>) dst(%arg9 : memref<128x128xf32, #tpu.memory_space<vmem>>)
    "tpu.region"() ({
      %run_scoped3A = tpu.sem_alloc : memref<!tpu.dma_semaphore, #tpu.memory_space<semaphore_mem>>
      %dma_start3A_44 = arith.constant 0 : i32
      %dma_start3A_45 = tpu.memref_slice %arg5[%mul3A_2, %dma_start3A_44] : memref<4096x128xf32, #tpu.memory_space<hbm>> -> memref<128x128xf32, #tpu.memory_space<hbm>>
      %dma_start3A_46 = arith.constant 0 : i32
      %dma_start3A_47 = tpu.memref_slice %arg5[%mul3A_2, %dma_start3A_46] : memref<4096x128xf32, #tpu.memory_space<hbm>> -> memref<128x128xf32, #tpu.memory_space<hbm>>
      tpu.enqueue_dma source(%arg9 : memref<128x128xf32, #tpu.memory_space<vmem>>) target(%dma_start3A_47 : memref<128x128xf32, #tpu.memory_space<hbm>>) target_semaphore(%run_scoped3A : memref<!tpu.dma_semaphore, #tpu.memory_space<semaphore_mem>>)
      %dma_wait3A_48 = arith.constant 0 : i32
      %dma_wait3A_49 = tpu.memref_slice %arg5[%mul3A_2, %dma_wait3A_48] : memref<4096x128xf32, #tpu.memory_space<hbm>> -> memref<128x128xf32, #tpu.memory_space<hbm>>
      %dma_wait3A_50 = arith.constant 0 : i32
      %dma_wait3A_51 = tpu.memref_slice %arg5[%mul3A_2, %dma_wait3A_50] : memref<4096x128xf32, #tpu.memory_space<hbm>> -> memref<128x128xf32, #tpu.memory_space<hbm>>
      tpu.wait_dma2 semaphore(%run_scoped3A : memref<!tpu.dma_semaphore, #tpu.memory_space<semaphore_mem>>) src(%arg9 : memref<128x128xf32, #tpu.memory_space<vmem>>) dst(%dma_wait3A_51 : memref<128x128xf32, #tpu.memory_space<hbm>>)
      tpu.yield
    }) : () -> ()
    %scan3A_37 = arith.constant 0 : i32
    %scan3A_38 = arith.constant 0 : i32
    %scan3A_39 = arith.constant 96 : i32
    %scan3A_40 = arith.addi %scan3A_38, %scan3A_39 : i32
    %scan3A_41 = arith.constant 1 : i32
    %scan3A_42 = scf.for %scan3A_44 = %scan3A_38 to %scan3A_40 step %scan3A_41 iter_args(%scan3A_45 = %scan3A_37) -> (i32)  : i32 {
      %dma_wait3A_46 = arith.constant 0 : i32
      %dma_wait3A_47 = arith.constant 0 : i32
      %dma_wait3A_48 = tpu.memref_slice %arg7[%dma_wait3A_46, %dma_wait3A_47] : memref<96x128xi32, #tpu.memory_space<vmem>> -> memref<1x128xi32, #tpu.memory_space<vmem>>
      %dma_wait3A_49 = tpu.memref_squeeze %dma_wait3A_48 : memref<1x128xi32, #tpu.memory_space<vmem>> -> memref<128xi32, #tpu.memory_space<vmem>>
      %dma_wait3A_50 = arith.constant 0 : i32
      %dma_wait3A_51 = arith.constant 0 : i32
      %dma_wait3A_52 = tpu.memref_slice %arg2[%dma_wait3A_50, %dma_wait3A_51] : memref<100000x128xf32, #tpu.memory_space<hbm>> -> memref<100000x128xf32, #tpu.memory_space<hbm>>
      tpu.wait_indirect_dma semaphore(%arg12 : memref<!tpu.dma_semaphore, #tpu.memory_space<semaphore_mem>>) src(%dma_wait3A_52 : memref<100000x128xf32, #tpu.memory_space<hbm>>) dst(%arg10 : memref<128x128xf32, #tpu.memory_space<vmem>>)
      %scan3A_53 = arith.constant 0 : i32
      scf.yield %scan3A_53 : i32
    }
    %scan3A_43 = arith.constant 96 : i32
    "tpu.region"() ({
      %run_scoped3A = tpu.sem_alloc : memref<!tpu.dma_semaphore, #tpu.memory_space<semaphore_mem>>
      %dma_start3A_44 = arith.constant 0 : i32
      %dma_start3A_45 = tpu.memref_slice %arg6[%mul3A_2, %dma_start3A_44] : memref<4096x128xf32, #tpu.memory_space<hbm>> -> memref<128x128xf32, #tpu.memory_space<hbm>>
      %dma_start3A_46 = arith.constant 0 : i32
      %dma_start3A_47 = tpu.memref_slice %arg6[%mul3A_2, %dma_start3A_46] : memref<4096x128xf32, #tpu.memory_space<hbm>> -> memref<128x128xf32, #tpu.memory_space<hbm>>
      tpu.enqueue_dma source(%arg10 : memref<128x128xf32, #tpu.memory_space<vmem>>) target(%dma_start3A_47 : memref<128x128xf32, #tpu.memory_space<hbm>>) target_semaphore(%run_scoped3A : memref<!tpu.dma_semaphore, #tpu.memory_space<semaphore_mem>>)
      %dma_wait3A_48 = arith.constant 0 : i32
      %dma_wait3A_49 = tpu.memref_slice %arg6[%mul3A_2, %dma_wait3A_48] : memref<4096x128xf32, #tpu.memory_space<hbm>> -> memref<128x128xf32, #tpu.memory_space<hbm>>
      %dma_wait3A_50 = arith.constant 0 : i32
      %dma_wait3A_51 = tpu.memref_slice %arg6[%mul3A_2, %dma_wait3A_50] : memref<4096x128xf32, #tpu.memory_space<hbm>> -> memref<128x128xf32, #tpu.memory_space<hbm>>
      tpu.wait_dma2 semaphore(%run_scoped3A : memref<!tpu.dma_semaphore, #tpu.memory_space<semaphore_mem>>) src(%arg10 : memref<128x128xf32, #tpu.memory_space<vmem>>) dst(%dma_wait3A_51 : memref<128x128xf32, #tpu.memory_space<hbm>>)
      tpu.yield
    }) : () -> ()
    return
  }
}

module attributes {stable_mosaic.version = 14 : i64} {
  func.func @_tc_body(%arg0: memref<4096x128xf32, #tpu.memory_space<vmem>>, %arg1: memref<4096x128xf32, #tpu.memory_space<vmem>>, %arg2: memref<64x128xf32, #tpu.memory_space<vmem>>, %arg3: memref<128x2xf32, #tpu.memory_space<vmem>>, %arg4: memref<1x2xf32, #tpu.memory_space<vmem>>, %arg5: memref<64x4096xf32, #tpu.memory_space<vmem>>, %arg6: memref<4096x2xf32, #tpu.memory_space<vmem>>) attributes {dimension_semantics = [], scalar_prefetch = 0 : i64, scratch_operands = 0 : i64, tpu.core_type = #tpu.core_type<tc>} {
    %get3A = arith.constant 0 : index
    %get3A_0 = arith.constant 0 : index
    %get3A_1 = vector.load %arg1[%get3A, %get3A_0] : memref<4096x128xf32, #tpu.memory_space<vmem>>, vector<4096x128xf32>
    %get3A_2 = arith.constant 0 : index
    %get3A_3 = arith.constant 0 : index
    %get3A_4 = vector.load %arg0[%get3A_2, %get3A_3] : memref<4096x128xf32, #tpu.memory_space<vmem>>, vector<4096x128xf32>
    %mul3A = arith.constant 1.562500e-02 : f32
    %mul3A_5 = vector.broadcast %mul3A : f32 to vector<4096x128xf32>
    %mul3A_6 = arith.mulf %mul3A_5, %get3A_4 : vector<4096x128xf32>
    %add3A = arith.addf %get3A_1, %mul3A_6 : vector<4096x128xf32>
    %get3A_7 = arith.constant 0 : index
    %get3A_8 = arith.constant 0 : index
    %get3A_9 = vector.load %arg2[%get3A_7, %get3A_8] : memref<64x128xf32, #tpu.memory_space<vmem>>, vector<64x128xf32>
    %dot_general3A = arith.constant dense<0.000000e+00> : vector<64x4096xf32>
    %dot_general3A_10 = tpu.matmul %get3A_9, %add3A, %dot_general3A {dimension_numbers = #tpu.dot_dimension_numbers<[1], [1], [0], [0], [0, 0, 1, 0], [], []>, transpose_lhs_hint = false} : vector<64x128xf32>, vector<4096x128xf32>, vector<64x4096xf32> -> vector<64x4096xf32>
    %max3A = arith.constant 0.000000e+00 : f32
    %max3A_11 = vector.broadcast %max3A : f32 to vector<64x4096xf32>
    %max3A_12 = arith.maximumf %dot_general3A_10, %max3A_11 : vector<64x4096xf32>
    %swap3A = arith.constant 0 : index
    %swap3A_13 = arith.constant 0 : index
    %swap3A_14 = vector.load %arg5[%swap3A, %swap3A_13] : memref<64x4096xf32, #tpu.memory_space<vmem>>, vector<64x4096xf32>
    tpu.vector_store %arg5[%swap3A, %swap3A_13], %max3A_12 {strides = array<i32>} : memref<64x4096xf32, #tpu.memory_space<vmem>>, vector<64x4096xf32>,
    %get3A_15 = arith.constant 0 : index
    %get3A_16 = arith.constant 0 : index
    %get3A_17 = vector.load %arg1[%get3A_15, %get3A_16] : memref<4096x128xf32, #tpu.memory_space<vmem>>, vector<4096x128xf32>
    %get3A_18 = arith.constant 0 : index
    %get3A_19 = arith.constant 0 : index
    %get3A_20 = vector.load %arg3[%get3A_18, %get3A_19] : memref<128x2xf32, #tpu.memory_space<vmem>>, vector<128x2xf32>
    %dot_general3A_21 = arith.constant dense<0.000000e+00> : vector<4096x2xf32>
    %dot_general3A_22 = tpu.matmul %get3A_17, %get3A_20, %dot_general3A_21 {dimension_numbers = #tpu.dot_dimension_numbers<[1], [0], [0], [1], [0, 0, 1, 1], [], []>, transpose_lhs_hint = false} : vector<4096x128xf32>, vector<128x2xf32>, vector<4096x2xf32> -> vector<4096x2xf32>
    %get3A_23 = arith.constant 0 : index
    %get3A_24 = arith.constant 0 : index
    %get3A_25 = vector.load %arg4[%get3A_23, %get3A_24] : memref<1x2xf32, #tpu.memory_space<vmem>>, vector<1x2xf32>
    %add3A_26 = vector.broadcast %get3A_25 : vector<1x2xf32> to vector<4096x2xf32>
    %add3A_27 = arith.addf %dot_general3A_22, %add3A_26 : vector<4096x2xf32>
    %swap3A_28 = arith.constant 0 : index
    %swap3A_29 = arith.constant 0 : index
    %swap3A_30 = vector.load %arg6[%swap3A_28, %swap3A_29] : memref<4096x2xf32, #tpu.memory_space<vmem>>, vector<4096x2xf32>
    tpu.vector_store %arg6[%swap3A_28, %swap3A_29], %add3A_27 {strides = array<i32>} : memref<4096x2xf32, #tpu.memory_space<vmem>>, vector<4096x2xf32>,
    return
  }
}

</mosaic_0001>

<sc_bundles>
// kernel: kernel.4.cloned.1.call-start
scs
__scs_entry_jumppad:
0x0: {  	(pc) =	sbr.rel $0x88, $3  }
0x1: {  	(tag) =	ssettag $0x0;
	lr =	simm.s32 $0x1  }
0x2: {  	[smem:$0x3F99] =	sst lr;
	_ =	strace $0xD0000000  }
0x3: {  	_ = 	snop  }
0x4: {  	_ = 	snop  }
0x5: {  	_ = 	snop  }
0x6: {  	_ = 	snop  }
0x7: {  	_ = 	snop  }
__scs_overlays_trampoline_lowered:
0x8: {  	[smem:$0x3FA8] =	sst s0  }
0x9: {  	[smem:$0x3FA9] =	sst s1  }
0xa: {  	[smem:$0x3FAA] =	sst s2  }
0xb: {  	[smem:$0x3FAB] =	sst s3  }
0xc: {  	[smem:$0x3FAC] =	sst s4  }
0xd: {  	[smem:$0x3FAD] =	sst s5  }
0xe: {  	[smem:$0x3FAE] =	sst s6  }
0xf: {  	[smem:$0x3FAF] =	sst s7  }
0x10: {  	[smem:$0x3FB0] =	sst s8  }
0x11: {  	[smem:$0x3FB1] =	sst s9;
	s0 =	simm.s32 @!p0 $0x0  }
0x12: {  	s1 =	sld [smem:$0x3F97];
	s0 =	simm.s32 @p0 $0x1  }
0x13: {  	[smem:$0x3FB2] =	sst s0;
	s0 =	simm.s32 @!p1 $0x0  }
0x14: {  	s2 =	sld [smem:$0x3F96];
	s0 =	simm.s32 @p1 $0x1  }
0x15: {  	[smem:$0x3FB3] =	sst s0;
	s0 =	simm.s32 @!p2 $0x0  }
0x16: {  	s3 =	sld [smem:$0x3FDB];
	s0 =	simm.s32 @p2 $0x1  }
0x17: {  	s4 =	simm.s32 $0x1BF5;
	[smem:$0x3FB5] =	sst s0  }
0x18: {  	s0 =	sld [smem:$0x3F98];
	_ =	swait.ge [sflag:s4], $0x0  }
0x19: {  	s7 =	sld [smem:$0x3F99]  }
0x1a: {  	s8 =	sadd.s32 $0xFFFFE003, lr  }
0x1b: {  	s9 =	sadd.s32 $0xFFFFFEF7, lr;
	s5 =	simm.s32 $0xFFFFFFFF;
	p2 =	slt.u32 s8, $0xFFFFF086  }
0x1c: {  	p1 =	slt.u32 s9, $0xF7A;
	s5 =	simm.s32 @!p2 $0x0  }
0x1d: {  	s5 =	simm.s32 @p1 $0x1;
	p0 =	seq.s32 s7, s2  }
0x1e: {  	s7 =	smul.u32 @!p0 $0xF7A, s2;
	p2 =	seq.s32 @!p0 s5, $0x0  }
0x1f: {  	s9 =	smul.u32 $0xF7A, s1;
	s8 =	simm.s32 @!p0 $0x1BF5;
	p2 =	por !p2, p0  }
0x20: {  	[sflag:s8] =	ssyncset.s32 @!p0 $0xFFFFF086;
	s6 =	sadd.s32 @!p0 s3, s7;
	s7 =	simm.s32 @!p0 $0x108  }
0x21: {  	s3 =	sadd.s32 s3, s9;
	s6 =	sadd.s32 @!p0 $0x88, s6;
	s7 =	simm.s32 @p2 $0x1082  }
0x22: {  	[simem:s7], [sflag:s8] =	dma.local @!p0 [hbm:s6], $0xF7A  }
0x23: {  	s9 =	sor.u32 $0xD0000000, s2;
	s6 =	simm.s32 $0x108;
	_ =	swait.ge @!p0 [sflag:s8], $0x0  }
0x24: {  	s3 =	sadd.s32 $0x88, s3;
	s6 =	simm.s32 @!p1 $0x1082;
	[sflag:s4] =	ssyncset.s32 $0xFFFFF086  }
0x25: {  	[simem:s6], [sflag:s4] =	dma.local [hbm:s3], $0xF7A  }
0x26: {  	[smem:$0x3F99] =	sst s1;
	(tag) =	ssettag s2;
	_ =	strace s9  }
0x27: {  	s1 =	sld [smem:$0x3FA9]  }
0x28: {  	s2 =	sld [smem:$0x3FAA]  }
0x29: {  	s4 =	sld [smem:$0x3FAC]  }
0x2a: {  	p0 =	seq.s32 s5, $0x0;
	s5 =	sld [smem:$0x3FAD]  }
0x2b: {  	s6 =	sld [smem:$0x3FAE]  }
0x2c: {  	s7 =	sld [smem:$0x3FAF]  }
0x2d: {  	s3 =	simm.s32 $0x108;
	s8 =	sld [smem:$0x3FB0]  }
0x2e: {  	s3 =	simm.s32 @!p0 $0x1082;
	s9 =	sld [smem:$0x3FB1]  }
0x2f: {  	lr =	sadd.s32 s0, s3;
	s0 =	sld [smem:$0x3FA8]  }
0x30: {  	s3 =	sld [smem:$0x3FAB]  }
0x31: {  	[smem:$0x3FB4] =	sst s10  }
0x32: {  	s10 =	sld [smem:$0x3FB2];
	_ =	sdelay $0x3  }
0x33: {  	p0 =	seq.s32 s10, $0x1;
	s10 =	sld [smem:$0x3FB4];
	_ =	sdelay $0x3  }
0x34: {  	[smem:$0x3FB4] =	sst s10  }
0x35: {  	s10 =	sld [smem:$0x3FB3];
	_ =	sdelay $0x3  }
0x36: {  	p1 =	seq.s32 s10, $0x1;
	s10 =	sld [smem:$0x3FB4];
	_ =	sdelay $0x3  }
0x37: {  	[smem:$0x3FB4] =	sst s10  }
0x38: {  	s10 =	sld [smem:$0x3FB5]  }
0x39: {  	_ = 	snop;
	(pc) =	sbr.ind lr, $3  }
0x3a: {  	_ = 	snop  }
0x3b: {  	_ = 	snop  }
0x3c: {  	p2 =	seq.s32 s10, $0x1;
	s10 =	sld [smem:$0x3FB4]  }
0x3d: {  	_ =	shalt  }
0x3e: {  	_ =	shalt  }
0x3f: {  	_ =	shalt  }
0x40: {  	_ =	shalt  }
0x41: {  	_ =	shalt  }
0x42: {  	_ =	shalt  }
0x43: {  	_ =	shalt  }
0x44: {  	_ =	shalt  }
0x45: {  	_ =	shalt  }
0x46: {  	_ =	shalt  }
0x47: {  	_ =	shalt  }
0x48: {  	_ =	shalt  }
0x49: {  	_ =	shalt  }
0x4a: {  	_ =	shalt  }
0x4b: {  	_ =	shalt  }
0x4c: {  	_ =	shalt  }
0x4d: {  	_ =	shalt  }
0x4e: {  	_ =	shalt  }
0x4f: {  	_ =	shalt  }
0x50: {  	_ =	shalt  }
0x51: {  	_ =	shalt  }
0x52: {  	_ =	shalt  }
0x53: {  	_ =	shalt  }
0x54: {  	_ =	shalt  }
0x55: {  	_ =	shalt  }
0x56: {  	_ =	shalt  }
0x57: {  	_ =	shalt  }
0x58: {  	_ =	shalt  }
0x59: {  	_ =	shalt  }
0x5a: {  	_ =	shalt  }
0x5b: {  	_ =	shalt  }
0x5c: {  	_ =	shalt  }
0x5d: {  	_ =	shalt  }
0x5e: {  	_ =	shalt  }
0x5f: {  	_ =	shalt  }
0x60: {  	_ =	shalt  }
0x61: {  	_ =	shalt  }
0x62: {  	_ =	shalt  }
0x63: {  	_ =	shalt  }
0x64: {  	_ =	shalt  }
0x65: {  	_ =	shalt  }
0x66: {  	_ =	shalt  }
0x67: {  	_ =	shalt  }
0x68: {  	_ =	shalt  }
0x69: {  	_ =	shalt  }
0x6a: {  	_ =	shalt  }
0x6b: {  	_ =	shalt  }
0x6c: {  	_ =	shalt  }
0x6d: {  	_ =	shalt  }
0x6e: {  	_ =	shalt  }
0x6f: {  	_ =	shalt  }
0x70: {  	_ =	shalt  }
0x71: {  	_ =	shalt  }
0x72: {  	_ =	shalt  }
0x73: {  	_ =	shalt  }
0x74: {  	_ =	shalt  }
0x75: {  	_ =	shalt  }
0x76: {  	_ =	shalt  }
0x77: {  	_ =	shalt  }
0x78: {  	_ =	shalt  }
0x79: {  	_ =	shalt  }
0x7a: {  	_ =	shalt  }
0x7b: {  	_ =	shalt  }
0x7c: {  	_ =	shalt  }
0x7d: {  	_ =	shalt  }
0x7e: {  	_ =	shalt  }
0x7f: {  	_ =	shalt  }
0x80: {  	_ =	shalt  }
0x81: {  	_ =	shalt  }
0x82: {  	_ =	shalt  }
0x83: {  	_ =	shalt  }
0x84: {  	_ =	shalt  }
0x85: {  	_ =	shalt  }
0x86: {  	_ =	shalt  }
0x87: {  	_ =	shalt  }
.Lfunc_end0:
.L_simem_size_0:
called_computation_lowered:
.L_overlay_start_0:
0x88: {  	s2 =	sld [smem:$0x3FD9]  }
0x89: {  	s3 =	sld [smem:$0x3FFE];
	_ =	sdelay $0x1  }
0x8a: {  	s1 =	srdreg.scid  }
0x8b: {  	s0 =	sand.u32 $0x1, s1  }
0x8c: {  	s17 =	sshll.u32 s0, $0xA;
	s2 =	sadd.s32 s3, s2  }
0x8d: {  	s2 =	sadd.s32 s2, s17  }
0x8e: {  	[smem:$0x3FC0] =	sst s2  }
0x8f: {  	_ = 	snop  }
0x90: {  	s2 =	sld [smem:$0x3FC9]  }
0x91: {  	s18 =	sld [smem:$0x3FC5];
	(tm) =	ssettm $0x1  }
0x92: {  	s4 =	sld [smem:$0x3FFB];
	_ =	sdelay $0x3  }
0x93: {  	_ =	strace s4  }
0x94: {  	s4 =	sld [smem:$0x3FFC];
	_ =	sdelay $0x3  }
0x95: {  	_ =	strace s4  }
0x96: {  	s4 =	sld [smem:$0x3FFD];
	_ =	sdelay $0x3  }
0x97: {  	_ =	strace s4  }
0x98: {  	_ =	strace $0x8FFFFFFF  }
0x99: {  	s19 =	sld [smem:$0x3FDB];
	_ =	sdelay $0x1  }
0x9a: {  	s5 =	simm.s32 $_scs_section_size  }
0x9b: {  	s6 =	simm.s32 $_size__tile_overlayer_lowered;
	s7 =	simm.s32 $_tile_overlayer_lowered  }
0x9c: {  	s22 =	simm.s32 $0x1BFF;
	s21 =	sshll.u32 s7, $0x1;
	s4 =	sadd.s32 s5, s19  }
0x9d: {  	s8 =	simm.s32 $0x0;
	s20 =	sshll.u32 s6, $0x1;
	s6 =	sadd.s32 s21, s4  }
0x9e: {  	[timem:s8], [sflag:s22] =	dma.local [hbm:s6], s20  }
0x9f: {  	_ =	swait.ge [sflag:s22], s20  }
0xa0: {  	s5 =	ssub.s32 $0x0, s20;
	[sflag:s22] =	ssyncset.done $0x0  }
0xa1: {  	[sflag:s22] =	ssyncadd.s32 s5;
	_ =	sdelay $0x1  }
0xa2: {  	s23 =	simm.s32 $0x1B8B  }
0xa3: {  	_ =	swait.ge [sflag:s23], $0x1  }
0xa4: {  	[sflag:s23] =	ssyncset.done $0x0  }
0xa5: {  	s25 =	simm.s32 $0x1B8E;
	s24 =	sld [smem:$0x3FFE];
	[sflag:s23] =	ssyncadd.s32 $0xFFFFFFFF  }
0xa6: {  	s26 =	simm.s32 $execute0_lowered;
	[smem:$0x3FD2] =	sst s25  }
0xa7: {  	s6 =	sshll.u32 s26, $0x1;
	_ =	strace $0x80000046;
	[dreg:$0x1] =	wrdreg $0xFFFFFFFF  }
0xa8: {  	s28 =	simm.s32 $_size_execute0_lowered;
	s4 =	sadd.s32 s4, s6;
	[dreg:$0x0] =	wrdreg $0x0  }
0xa9: {  	s6 =	sshll.u32 s28, $0x1;
	[dreg:$0x2] =	wrdreg s4  }
0xaa: {  	[dreg:$0x3] =	wrdreg s6  }
0xab: {  	[dreg:$0x4] =	wrdreg $0xC0  }
0xac: {  	_ =	task [dreg:s8], $0x5FFFF  }
0xad: {  	[dreg:$0x1] =	wrdreg $0xFFFFFFFF  }
0xae: {  	[dreg:$0x0] =	wrdreg $0x60  }
0xaf: {  	[dreg:$0x2] =	wrdreg s2  }
0xb0: {  	[dreg:$0x3] =	wrdreg s18  }
0xb1: {  	[dreg:$0x4] =	wrdreg s24  }
0xb2: {  	[dreg:$0x5] =	wrdreg $0x9  }
0xb3: {  	_ =	task.clear_ibuf [dreg:s8], $0x6FFFF;
	_ =	strace $0x90000046  }
0xb4: {  	s29 =	simm.s32 $0x9;
	_ =	strace $0x80000048  }
0xb5: {  	_ =	swait.ge [sflag:s29], $0x1  }
0xb6: {  	[sflag:s29] =	ssyncadd.s32 $0xFFFFFFFF  }
0xb7: {  	_ =	strace $0x90000048  }
0xb8: {  	_ =	sfence  }
0xb9: {  	s30 =	sld [smem:$0x0];
	_ =	sdelay $0x2  }
0xba: {  	s31 =	sshll.u32 s1, $0xD;
	s1 =	sshrl.u32 s1, $0x2  }
0xbb: {  	s3 =	sand.u32 $0x4000, s31;
	s1 =	sadd.s32 s1, s30  }
0xbc: {  	s0 =	sor.u32 s3, s0;
	s1 =	sshll.u32 s1, $0x11  }
0xbd: {  	s0 =	sor.u32 s1, s0  }
0xbe: {  	s0 =	sadd.s32 $0x8F2B, s0  }
0xbf: {  	[sflag:s0] =	ssyncadd.remote.s32 $0x1  }
0xc0: {  	_ =	sfence.sel $0xFFFF  }
0xc1: {  	[dreg:$0x0] =	wrdreg $0xFFFFFFFF;
	(pc) =	sbr.abs _section_cstart, $3  }
0xc2: {  	[dreg:$0x1] =	wrdreg $0xFFFFFFFF  }
0xc3: {  	_ =	task.clear_ibuf [dreg:s8], $0x2FFFF;
	_ =	strace $0x9FFFFFFF  }
0xc4: {  	(tm) =	ssettm $0x7FFFFFFF  }
0xc5: {  	_ =	shalt  }
tec
execute0_lowered:
.L_overlay_start_1:
0x0: {  	(tag) =	ssettag $0x1  }
0x1: {  	s1 =	rddreg [dreg:$0x0]  }
0x2: {  	s4 =	rddreg [dreg:$0x1]  }
0x3: {  	s2 =	srdreg.scid;
	s0 =	stileid.u32  }
0x4: {  	s5 =	rddreg [dreg:$0x2];
	s3 =	simm.s32 $0x0;
	s11 =	simm.s32 $0x80  }
0x5: {  	s12 =	simm.s32 $0x3080;
	s13 =	simm.s32 $0x3;
	s14 =	simm.s32 $0x7080  }
0x6: {  	s15 =	simm.s32 $0x1;
	s16 =	simm.s32 $0x2;
	s17 =	simm.s32 $0x0  }
0x7: {  	s6 =	sand.u32 $0x1, s2;
	s7 =	sshll.u32 s0, $0x1;
	[smem:$0x7FF] =	sst s3  }
0x8: {  	s2 =	rddreg [dreg:$0x3];
	s7 =	sor.u32 s6, s7;
	_ =	strace $0x80000047  }
0x9: {  	s6 =	ssub.s32 $0x2, s6;
	s8 =	smul.u32 $0x600, s7;
	s9 =	sshll.u32 s7, $0xB  }
0xa: {  	s31 =	sshrl.u32 s6, $0x1;
	s7 =	sshll.u32 s7, $0x4;
	s9 =	sadd.s32 s9, s5  }
0xb: {  	s10 =	ssub.s32 s6, s31;
	s4 =	sadd.s32 s4, s7;
	s8 =	sadd.s32 s8, s5  }
0xc: {  	s6 =	sadd.s32 $0xD800, s9;
	s7 =	sadd.s32 $0x1D800, s9;
	s9 =	simm.s32 $0x3000  }
0xd: {  	v0 =	vimm.f32 $0.0e+00;
	s5 =	sadd.s32 $0x1800, s8;
	s8 =	smax.u32 s10, $0x1;
	s10 =	simm.s32 $0x4  }
.LBB2_1:
0xe: {  	[tilespmem:s9], [sflag:$0x4] =	stream.linear.gather [hbm4b:s4+s3], $0x80, $0x38;
	[tilespmem:$0xB080] =	vst v63  }
0xf: {  	_ =	swait.ge [sflag:s10], $0x80  }
0x10: {  	[sflag:s10] =	ssyncset.done $0x0  }
0x11: {  	[sflag:s10] =	ssyncadd.s32 $0xFFFFFF80  }
0x12: {  	[tilespmem:s3], [sflag:$0x3] =	stream.linear.gather [hbm4b:s5+s3], $0x3000, $0x38;
	[tilespmem:$0xB080] =	vst v63  }
0x13: {  	s18 =	simm.s32 $0x0;
	s19 =	simm.s32 $0x200  }
0x14: {  	[tilespmem:s12], [sflag:$0x1] =	stream.indirect.gather [hbm4b:s1+s11], $0x80, s9, s11, $0xb8;
	[tilespmem:$0xB080] =	vst v63  }
.LBB2_2:
0x15: {  	p0 =	sne.s32 s19, $0xFE00;
	[tilespmem:s18+$0x70F0] =	vst v0  }
0x16: {  	[tilespmem:s18+$0x7080] =	vst v0  }
0x17: {  	[tilespmem:s18+$0x7090] =	vst v0  }
.Ltmp0:
0x18: {  	[tilespmem:s18+$0x70A0] =	vst v0;
	(pc) =	sbr.rel @p0 .LBB2_2-.Ltmp0, $4  }
0x19: {  	[tilespmem:s18+$0x70B0] =	vst v0  }
0x1a: {  	[tilespmem:s18+$0x70C0] =	vst v0  }
0x1b: {  	[tilespmem:s18+$0x70D0] =	vst v0  }
0x1c: {  	[tilespmem:s18+$0x70E0] =	vst v0;
	s18 =	sshra.s32 s19, $0x2;
	s19 =	sadd.s32 $0x200, s19  }
0x1d: {  	[tilespmem:s18+$0x70F0] =	vst v0  }
0x1e: {  	[tilespmem:s18+$0x7080] =	vst v0  }
0x1f: {  	[tilespmem:s18+$0x7090] =	vst v0  }
0x20: {  	[tilespmem:s18+$0x70A0] =	vst v0  }
0x21: {  	[tilespmem:s18+$0x70B0] =	vst v0  }
0x22: {  	[tilespmem:s18+$0x70C0] =	vst v0  }
0x23: {  	[tilespmem:s18+$0x70D0] =	vst v0  }
0x24: {  	[tilespmem:s18+$0x70E0] =	vst v0  }
0x25: {  	_ =	swait.ge [sflag:s13], $0x3000  }
0x26: {  	[sflag:s13] =	ssyncset.done $0x0  }
0x27: {  	s18 =	simm.s32 $0x200;
	s19 =	simm.s32 $0x0;
	[sflag:s13] =	ssyncadd.s32 $0xFFFFD000  }
.LBB2_4:
0x28: {  	[tilespmem:s14], [sflag:$0x2] =	stream.indirect.gather.add.f32 [hbm:s1], $0x80, s19, s11, $0xb8;
	[tilespmem:$0xB080] =	vst v63  }
0x29: {  	s19 =	smov.u32 s18;
	p0 =	sne.s32 s18, $0xBE00  }
.Ltmp1:
0x2a: {  	s18 =	sadd.s32 $0x200, s18;
	(pc) =	sbr.rel @p0 .LBB2_4-.Ltmp1, $2  }
0x2b: {  	_ =	sdelay $0x2  }
0x2c: {  	s19 =	sshra.s32 s19, $0x2  }
0x2d: {  	[tilespmem:s14], [sflag:$0x2] =	stream.indirect.gather.add.f32 [hbm:s1], $0x80, s19, s11, $0xb8;
	[tilespmem:$0xB080] =	vst v63  }
0x2e: {  	_ =	swait.ge [sflag:s15], $0x4000  }
0x2f: {  	[sflag:s15] =	ssyncset.done $0x0  }
0x30: {  	[sflag:s15] =	ssyncadd.s32 $0xFFFFC000  }
0x31: {  	[hbm4b:s6+s3] =	stream.linear.scatter [tilespmem:s12], [sflag:$0x4], $0x4000, $0x38;
	[tilespmem:$0xB080] =	vst v63  }
0x32: {  	_ =	swait.ge [sflag:s10], $0x4000  }
0x33: {  	[sflag:s10] =	ssyncset.done $0x0  }
0x34: {  	[sflag:s10] =	ssyncadd.s32 $0xFFFFC000  }
0x35: {  	_ =	swait.ge [sflag:s16], $0x4000  }
0x36: {  	s18 =	simm.s32 $0x5F;
	[sflag:s16] =	ssyncset.done $0x0  }
.LBB2_6:
0x37: {  	p0 =	sne.s32 s18, $0x1;
	s18 =	sadd.s32 $0xFFFFFFFF, s18;
	[sflag:s16] =	ssyncadd.s32 $0xFFFFC000  }
.Ltmp2:
0x38: {  	(pc) =	sbr.rel @p0 .LBB2_6-.Ltmp2, $3  }
0x39: {  	_ =	sdelay $0x1  }
0x3a: {  	_ =	swait.ge [sflag:s16], $0x4000  }
0x3b: {  	[sflag:s16] =	ssyncset.done $0x0  }
0x3c: {  	s17 =	sadd.s32 $0x1, s17  }
0x3d: {  	p0 =	sne.s32 s17, s8  }
.Ltmp3:
0x3e: {  	[sflag:s16] =	ssyncadd.s32 $0xFFFFC000;
	(pc) =	sbr.rel @p0 .LBB2_1-.Ltmp3, $4  }
0x3f: {  	[hbm4b:s7+s3] =	stream.linear.scatter [tilespmem:s14], [sflag:$0x4], $0x4000, $0x38;
	[tilespmem:$0xB080] =	vst v63  }
0x40: {  	_ =	swait.ge [sflag:s10], $0x4000  }
0x41: {  	[sflag:s10] =	ssyncset.done $0x0  }
0x42: {  	[sflag:s10] =	ssyncadd.s32 $0xFFFFC000  }
0x43: {  	_ =	sfence.sel $0x180000  }
0x44: {  	[bflag:$0x0] =	sbarrier.arrive $0xFFFF  }
0x45: {  	p0 =	sne.s32 s0, $0x0;
	_ =	strace $0x90000047  }
0x46: {  	s0 =	sadd.s32 @!p0 $0x100000, s2;
	[bflag:$0x2] =	sbarrier.arrive $0xFFFF  }
0x47: {  	[sflag:s0] =	ssyncadd.tile.s32 @!p0 $0x1;
	_ =	shalt  }
.Lfunc_end2:
_tile_overlayer_lowered:
.L_overlay_start_2:
0x48: {  	(tag) =	ssettag $0x2  }
0x49: {  	s0 =	rddreg [dreg:$0x0];
	s2 =	stileid.u32  }
0x4a: {  	s1 =	rddreg [dreg:$0x1];
	p0 =	sne.s32 s2, $0x0  }
0x4b: {  	s3 =	rddreg [dreg:$0x2];
	[bflag:$0x3] =	sbarrier.arrive $0xFFFF;
	s2 =	simm.s32 @!p0 $0x1C04  }
0x4c: {  	[timem:s3], [sflag:s2] =	dma.local @!p0 [hbm:s0], s1  }
0x4d: {  	s0 =	simm.s32 @!p0 $0x4  }
0x4e: {  	_ =	swait.ge @!p0 [sflag:s0], s1  }
0x4f: {  	s1 =	ssub.s32 @!p0 $0x0, s1;
	[sflag:s0] =	ssyncset.done @!p0 $0x0  }
0x50: {  	[sflag:s0] =	ssyncadd.s32 @!p0 s1  }
0x51: {  	[bflag:$0x3] =	sbarrier.arrive $0xFFFF  }
0x52: {  	_ =	shalt  }

</sc_bundles>
